<compile_context>
chip_gen: v7x
topology: tpu7x:2x2x1
jax: 0.10.2.dev20260603
libtpu: 0.0.44.dev20260713+nightly
codegen_flags: <defaults>
</compile_context>

<pallas_src>
import functools

import jax
import jax.numpy as jnp
from jax import lax
from jax.experimental import pallas as pl
from jax.experimental.pallas import tpu as pltpu
from jax.experimental.pallas import tpu_sc as plsc

_CHUNK = 128
_NBUF = 5


@functools.cache
def _build(n, vocab, d):
    info = plsc.get_sparse_core_info()
    nc, ns = info.num_cores, info.num_subcores
    nw = nc * ns
    per_w = n // nw
    n_chunks = per_w // _CHUNK
    assert per_w * nw == n and n_chunks * _CHUNK == per_w
    assert n_chunks % _NBUF == 0 and n_chunks // _NBUF >= 2

    mesh = plsc.VectorSubcoreMesh(core_axis_name="c", subcore_axis_name="s")

    @functools.partial(
        pl.kernel,
        mesh=mesh,
        out_type=jax.ShapeDtypeStruct((n, d), jnp.float32),
        scratch_types=[
            pltpu.VMEM((n_chunks, _CHUNK), jnp.int32),
            [pltpu.VMEM((_CHUNK, d), jnp.float32)] * _NBUF,
            [pltpu.SemaphoreType.DMA] * _NBUF,
            [pltpu.SemaphoreType.DMA] * _NBUF,
        ],
    )
    def k(idx_hbm, table_hbm, out_hbm, idx_v, rows, gsem, osem):
        wid = lax.axis_index("s") * nc + lax.axis_index("c")
        crow = wid * n_chunks
        base = wid * per_w
        pltpu.sync_copy(idx_hbm.at[pl.ds(crow, n_chunks)], idx_v)

        def gather(j, b):
            return pltpu.make_async_copy(
                table_hbm.at[idx_v.at[j]], rows[b], gsem[b]
            )

        def writeback(j, b):
            return pltpu.make_async_copy(
                rows[b], out_hbm.at[pl.ds(base + j * _CHUNK, _CHUNK)], osem[b]
            )

        for b in range(_NBUF):
            gather(b, b).start()

        def body(k_it, carry):
            j0 = k_it * _NBUF
            for b in range(_NBUF):
                j = j0 + b
                gather(j, b).wait()
                writeback(j, b).start()
                writeback(j, b).wait()
                gather(j + _NBUF, b).start()
            return carry

        lax.fori_loop(0, n_chunks // _NBUF - 1, body, 0)

        j0 = n_chunks - _NBUF
        for b in range(_NBUF):
            j = j0 + b
            gather(j, b).wait()
            writeback(j, b).start()
        for b in range(_NBUF):
            writeback(j0 + b, b).wait()

    return k


def kernel(inp, table):
    b, s = inp.shape
    vocab, d = table.shape
    n = b * s
    idx2d = inp.reshape(n // _CHUNK, _CHUNK)
    out = _build(n, vocab, d)(idx2d, table)
    return out.reshape(b, s, d)

# --- scband reference (transcript-rebuilt; emitter-appended) ---
"""Pipeline reference for scband-tpword-embedding-46334107189510 (READ-ONLY COPY).

The authoritative reference and input builder live on the scoring server;
editing this copy changes nothing except your own understanding.
"""

import jax, jax.numpy as jnp
import numpy as np

VOCAB = 1000000
EMB = 128
PAD = 0
BATCH = 4096
SEQ = 200


def setup_inputs(seed: int = 0) -> dict:
    key = jax.random.key(seed)
    k1, k2 = jax.random.split(key)
    inp = jax.random.randint(k1, (BATCH, SEQ), 0, VOCAB, dtype=jnp.int32)
    std = EMB ** (-0.5)
    table = jax.random.truncated_normal(k2, -2.0, 2.0, (VOCAB, EMB), dtype=jnp.float32) * std
    table = table.at[PAD].set(0.0)  # padding_idx row zeroed, matching nn.Embedding(padding_idx=PAD)
    return {"inp": inp, "table": table}


def reference(inp, table):
    # TPWordEmbedding.forward(inp, reverse=False):
    #   copy_to_tensor_model_parallel_region -> identity on fwd
    #   emb(inp) -> per-rank [B, S, emb_dim // world_size] gather
    #   all_gather along feature dim -> [B, S, emb_dim]
    # With world_size = 1 this is exactly a full-table embedding lookup.
    out = jnp.take(table, inp, axis=0)
    return out

if __name__ == "__main__":
    import jax
    _d = setup_inputs()
    print(jax.jit(kernel)(*tuple(_d.values())))

</pallas_src>

<mosaic_0001>
#map = affine_map<(d0, d1) -> (0, 0)>
module attributes {stable_mosaic.version = 14 : i64} {
  func.func @k(%arg0: i32, %arg1: i32, %arg2: memref<6400x128xi32, #tpu.memory_space<hbm>>, %arg3: memref<1000000x128xf32, #tpu.memory_space<hbm>>, %arg4: memref<819200x128xf32, #tpu.memory_space<hbm>>, %arg5: memref<200x128xi32, #tpu.memory_space<vmem>>, %arg6: memref<128x128xf32, #tpu.memory_space<vmem>>, %arg7: memref<128x128xf32, #tpu.memory_space<vmem>>, %arg8: memref<128x128xf32, #tpu.memory_space<vmem>>, %arg9: memref<128x128xf32, #tpu.memory_space<vmem>>, %arg10: memref<128x128xf32, #tpu.memory_space<vmem>>, %arg11: memref<!tpu.dma_semaphore, #tpu.memory_space<semaphore_mem>>, %arg12: memref<!tpu.dma_semaphore, #tpu.memory_space<semaphore_mem>>, %arg13: memref<!tpu.dma_semaphore, #tpu.memory_space<semaphore_mem>>, %arg14: memref<!tpu.dma_semaphore, #tpu.memory_space<semaphore_mem>>, %arg15: memref<!tpu.dma_semaphore, #tpu.memory_space<semaphore_mem>>, %arg16: memref<!tpu.dma_semaphore, #tpu.memory_space<semaphore_mem>>, %arg17: memref<!tpu.dma_semaphore, #tpu.memory_space<semaphore_mem>>, %arg18: memref<!tpu.dma_semaphore, #tpu.memory_space<semaphore_mem>>, %arg19: memref<!tpu.dma_semaphore, #tpu.memory_space<semaphore_mem>>, %arg20: memref<!tpu.dma_semaphore, #tpu.memory_space<semaphore_mem>>) attributes {dimension_semantics = [#tpu.dimension_semantics<core_parallel>, #tpu.dimension_semantics<subcore_parallel>], iteration_bounds = array<i64: 2, 16>, scalar_prefetch = 0 : i64, scratch_operands = 16 : i64, tpu.core_type = #tpu.core_type<sc_vector_subcore>, window_params = [{transform_indices = #map}, {transform_indices = #map}, {transform_indices = #map}]} {
    %mul3A = arith.constant 2 : i32
    %mul3A_0 = arith.muli %arg1, %mul3A : i32
    %add3A = arith.addi %mul3A_0, %arg0 : i32
    %mul3A_1 = arith.constant 200 : i32
    %mul3A_2 = arith.muli %add3A, %mul3A_1 : i32
    %mul3A_3 = arith.constant 25600 : i32
    %mul3A_4 = arith.muli %add3A, %mul3A_3 : i32
    "tpu.region"() ({
      %run_scoped3A = tpu.sem_alloc : memref<!tpu.dma_semaphore, #tpu.memory_space<semaphore_mem>>
      %dma_start3A_138 = arith.constant 0 : i32
      %dma_start3A_139 = tpu.memref_slice %arg2[%mul3A_2, %dma_start3A_138] : memref<6400x128xi32, #tpu.memory_space<hbm>> -> memref<200x128xi32, #tpu.memory_space<hbm>>
      %dma_start3A_140 = arith.constant 0 : i32
      %dma_start3A_141 = tpu.memref_slice %arg2[%mul3A_2, %dma_start3A_140] : memref<6400x128xi32, #tpu.memory_space<hbm>> -> memref<200x128xi32, #tpu.memory_space<hbm>>
      tpu.enqueue_dma source(%dma_start3A_141 : memref<200x128xi32, #tpu.memory_space<hbm>>) target(%arg5 : memref<200x128xi32, #tpu.memory_space<vmem>>) target_semaphore(%run_scoped3A : memref<!tpu.dma_semaphore, #tpu.memory_space<semaphore_mem>>)
      %dma_wait3A_142 = arith.constant 0 : i32
      %dma_wait3A_143 = tpu.memref_slice %arg2[%mul3A_2, %dma_wait3A_142] : memref<6400x128xi32, #tpu.memory_space<hbm>> -> memref<200x128xi32, #tpu.memory_space<hbm>>
      %dma_wait3A_144 = arith.constant 0 : i32
      %dma_wait3A_145 = tpu.memref_slice %arg2[%mul3A_2, %dma_wait3A_144] : memref<6400x128xi32, #tpu.memory_space<hbm>> -> memref<200x128xi32, #tpu.memory_space<hbm>>
      tpu.wait_dma2 semaphore(%run_scoped3A : memref<!tpu.dma_semaphore, #tpu.memory_space<semaphore_mem>>) src(%dma_wait3A_145 : memref<200x128xi32, #tpu.memory_space<hbm>>) dst(%arg5 : memref<200x128xi32, #tpu.memory_space<vmem>>)
      tpu.yield
    }) : () -> ()
    %dma_start3A = arith.constant 0 : i32
    %dma_start3A_5 = arith.constant 0 : i32
    %dma_start3A_6 = tpu.memref_slice %arg5[%dma_start3A, %dma_start3A_5] : memref<200x128xi32, #tpu.memory_space<vmem>> -> memref<1x128xi32, #tpu.memory_space<vmem>>
    %dma_start3A_7 = tpu.memref_squeeze %dma_start3A_6 : memref<1x128xi32, #tpu.memory_space<vmem>> -> memref<128xi32, #tpu.memory_space<vmem>>
    %dma_start3A_8 = arith.constant 0 : i32
    %dma_start3A_9 = arith.constant 0 : i32
    %dma_start3A_10 = tpu.memref_slice %arg3[%dma_start3A_8, %dma_start3A_9] : memref<1000000x128xf32, #tpu.memory_space<hbm>> -> memref<1000000x128xf32, #tpu.memory_space<hbm>>
    tpu.enqueue_indirect_dma source(%dma_start3A_10 : memref<1000000x128xf32, #tpu.memory_space<hbm>>) target(%arg6 : memref<128x128xf32, #tpu.memory_space<vmem>>) offsets(%dma_start3A_7 : memref<128xi32, #tpu.memory_space<vmem>>) semaphore(%arg11 : memref<!tpu.dma_semaphore, #tpu.memory_space<semaphore_mem>>)
    %dma_start3A_11 = arith.constant 1 : i32
    %dma_start3A_12 = arith.constant 0 : i32
    %dma_start3A_13 = tpu.memref_slice %arg5[%dma_start3A_11, %dma_start3A_12] : memref<200x128xi32, #tpu.memory_space<vmem>> -> memref<1x128xi32, #tpu.memory_space<vmem>>
    %dma_start3A_14 = tpu.memref_squeeze %dma_start3A_13 : memref<1x128xi32, #tpu.memory_space<vmem>> -> memref<128xi32, #tpu.memory_space<vmem>>
    %dma_start3A_15 = arith.constant 0 : i32
    %dma_start3A_16 = arith.constant 0 : i32
    %dma_start3A_17 = tpu.memref_slice %arg3[%dma_start3A_15, %dma_start3A_16] : memref<1000000x128xf32, #tpu.memory_space<hbm>> -> memref<1000000x128xf32, #tpu.memory_space<hbm>>
    tpu.enqueue_indirect_dma source(%dma_start3A_17 : memref<1000000x128xf32, #tpu.memory_space<hbm>>) target(%arg7 : memref<128x128xf32, #tpu.memory_space<vmem>>) offsets(%dma_start3A_14 : memref<128xi32, #tpu.memory_space<vmem>>) semaphore(%arg12 : memref<!tpu.dma_semaphore, #tpu.memory_space<semaphore_mem>>)
    %dma_start3A_18 = arith.constant 2 : i32
    %dma_start3A_19 = arith.constant 0 : i32
    %dma_start3A_20 = tpu.memref_slice %arg5[%dma_start3A_18, %dma_start3A_19] : memref<200x128xi32, #tpu.memory_space<vmem>> -> memref<1x128xi32, #tpu.memory_space<vmem>>
    %dma_start3A_21 = tpu.memref_squeeze %dma_start3A_20 : memref<1x128xi32, #tpu.memory_space<vmem>> -> memref<128xi32, #tpu.memory_space<vmem>>
    %dma_start3A_22 = arith.constant 0 : i32
    %dma_start3A_23 = arith.constant 0 : i32
    %dma_start3A_24 = tpu.memref_slice %arg3[%dma_start3A_22, %dma_start3A_23] : memref<1000000x128xf32, #tpu.memory_space<hbm>> -> memref<1000000x128xf32, #tpu.memory_space<hbm>>
    tpu.enqueue_indirect_dma source(%dma_start3A_24 : memref<1000000x128xf32, #tpu.memory_space<hbm>>) target(%arg8 : memref<128x128xf32, #tpu.memory_space<vmem>>) offsets(%dma_start3A_21 : memref<128xi32, #tpu.memory_space<vmem>>) semaphore(%arg13 : memref<!tpu.dma_semaphore, #tpu.memory_space<semaphore_mem>>)
    %dma_start3A_25 = arith.constant 3 : i32
    %dma_start3A_26 = arith.constant 0 : i32
    %dma_start3A_27 = tpu.memref_slice %arg5[%dma_start3A_25, %dma_start3A_26] : memref<200x128xi32, #tpu.memory_space<vmem>> -> memref<1x128xi32, #tpu.memory_space<vmem>>
    %dma_start3A_28 = tpu.memref_squeeze %dma_start3A_27 : memref<1x128xi32, #tpu.memory_space<vmem>> -> memref<128xi32, #tpu.memory_space<vmem>>
    %dma_start3A_29 = arith.constant 0 : i32
    %dma_start3A_30 = arith.constant 0 : i32
    %dma_start3A_31 = tpu.memref_slice %arg3[%dma_start3A_29, %dma_start3A_30] : memref<1000000x128xf32, #tpu.memory_space<hbm>> -> memref<1000000x128xf32, #tpu.memory_space<hbm>>
    tpu.enqueue_indirect_dma source(%dma_start3A_31 : memref<1000000x128xf32, #tpu.memory_space<hbm>>) target(%arg9 : memref<128x128xf32, #tpu.memory_space<vmem>>) offsets(%dma_start3A_28 : memref<128xi32, #tpu.memory_space<vmem>>) semaphore(%arg14 : memref<!tpu.dma_semaphore, #tpu.memory_space<semaphore_mem>>)
    %dma_start3A_32 = arith.constant 4 : i32
    %dma_start3A_33 = arith.constant 0 : i32
    %dma_start3A_34 = tpu.memref_slice %arg5[%dma_start3A_32, %dma_start3A_33] : memref<200x128xi32, #tpu.memory_space<vmem>> -> memref<1x128xi32, #tpu.memory_space<vmem>>
    %dma_start3A_35 = tpu.memref_squeeze %dma_start3A_34 : memref<1x128xi32, #tpu.memory_space<vmem>> -> memref<128xi32, #tpu.memory_space<vmem>>
    %dma_start3A_36 = arith.constant 0 : i32
    %dma_start3A_37 = arith.constant 0 : i32
    %dma_start3A_38 = tpu.memref_slice %arg3[%dma_start3A_36, %dma_start3A_37] : memref<1000000x128xf32, #tpu.memory_space<hbm>> -> memref<1000000x128xf32, #tpu.memory_space<hbm>>
    tpu.enqueue_indirect_dma source(%dma_start3A_38 : memref<1000000x128xf32, #tpu.memory_space<hbm>>) target(%arg10 : memref<128x128xf32, #tpu.memory_space<vmem>>) offsets(%dma_start3A_35 : memref<128xi32, #tpu.memory_space<vmem>>) semaphore(%arg15 : memref<!tpu.dma_semaphore, #tpu.memory_space<semaphore_mem>>)
    %scan3A = arith.constant 0 : i32
    %scan3A_39 = arith.constant 0 : i32
    %scan3A_40 = arith.constant 39 : i32
    %scan3A_41 = arith.addi %scan3A_39, %scan3A_40 : i32
    %scan3A_42 = arith.constant 1 : i32
    scf.for %scan3A_138 = %scan3A_39 to %scan3A_41 step %scan3A_42  : i32 {
      %mul3A_139 = arith.constant 5 : i32
      %mul3A_140 = arith.muli %scan3A_138, %mul3A_139 : i32
      %add3A_141 = arith.constant 0 : i32
      %add3A_142 = arith.addi %mul3A_140, %add3A_141 : i32
      %dma_wait3A_143 = arith.constant 0 : i32
      %dma_wait3A_144 = tpu.memref_slice %arg5[%add3A_142, %dma_wait3A_143] : memref<200x128xi32, #tpu.memory_space<vmem>> -> memref<1x128xi32, #tpu.memory_space<vmem>>
      %dma_wait3A_145 = tpu.memref_squeeze %dma_wait3A_144 : memref<1x128xi32, #tpu.memory_space<vmem>> -> memref<128xi32, #tpu.memory_space<vmem>>
      %dma_wait3A_146 = arith.constant 0 : i32
      %dma_wait3A_147 = arith.constant 0 : i32
      %dma_wait3A_148 = tpu.memref_slice %arg3[%dma_wait3A_146, %dma_wait3A_147] : memref<1000000x128xf32, #tpu.memory_space<hbm>> -> memref<1000000x128xf32, #tpu.memory_space<hbm>>
      tpu.wait_indirect_dma semaphore(%arg11 : memref<!tpu.dma_semaphore, #tpu.memory_space<semaphore_mem>>) src(%dma_wait3A_148 : memref<1000000x128xf32, #tpu.memory_space<hbm>>) dst(%arg6 : memref<128x128xf32, #tpu.memory_space<vmem>>)
      %mul3A_149 = arith.constant 128 : i32
      %mul3A_150 = arith.muli %add3A_142, %mul3A_149 : i32
      %add3A_151 = arith.addi %mul3A_4, %mul3A_150 : i32
      %dma_start3A_152 = arith.constant 0 : i32
      %dma_start3A_153 = tpu.memref_slice %arg4[%add3A_151, %dma_start3A_152] : memref<819200x128xf32, #tpu.memory_space<hbm>> -> memref<128x128xf32, #tpu.memory_space<hbm>>
      %dma_start3A_154 = arith.constant 0 : i32
      %dma_start3A_155 = tpu.memref_slice %arg4[%add3A_151, %dma_start3A_154] : memref<819200x128xf32, #tpu.memory_space<hbm>> -> memref<128x128xf32, #tpu.memory_space<hbm>>
      tpu.enqueue_dma source(%arg6 : memref<128x128xf32, #tpu.memory_space<vmem>>) target(%dma_start3A_155 : memref<128x128xf32, #tpu.memory_space<hbm>>) target_semaphore(%arg16 : memref<!tpu.dma_semaphore, #tpu.memory_space<semaphore_mem>>)
      %mul3A_156 = arith.constant 128 : i32
      %mul3A_157 = arith.muli %add3A_142, %mul3A_156 : i32
      %add3A_158 = arith.addi %mul3A_4, %mul3A_157 : i32
      %dma_wait3A_159 = arith.constant 0 : i32
      %dma_wait3A_160 = tpu.memref_slice %arg4[%add3A_158, %dma_wait3A_159] : memref<819200x128xf32, #tpu.memory_space<hbm>> -> memref<128x128xf32, #tpu.memory_space<hbm>>
      %dma_wait3A_161 = arith.constant 0 : i32
      %dma_wait3A_162 = tpu.memref_slice %arg4[%add3A_158, %dma_wait3A_161] : memref<819200x128xf32, #tpu.memory_space<hbm>> -> memref<128x128xf32, #tpu.memory_space<hbm>>
      tpu.wait_dma2 semaphore(%arg16 : memref<!tpu.dma_semaphore, #tpu.memory_space<semaphore_mem>>) src(%arg6 : memref<128x128xf32, #tpu.memory_space<vmem>>) dst(%dma_wait3A_162 : memref<128x128xf32, #tpu.memory_space<hbm>>)
      %add3A_163 = arith.constant 5 : i32
      %add3A_164 = arith.addi %add3A_142, %add3A_163 : i32
      %dma_start3A_165 = arith.constant 0 : i32
      %dma_start3A_166 = tpu.memref_slice %arg5[%add3A_164, %dma_start3A_165] : memref<200x128xi32, #tpu.memory_space<vmem>> -> memref<1x128xi32, #tpu.memory_space<vmem>>
      %dma_start3A_167 = tpu.memref_squeeze %dma_start3A_166 : memref<1x128xi32, #tpu.memory_space<vmem>> -> memref<128xi32, #tpu.memory_space<vmem>>
      %dma_start3A_168 = arith.constant 0 : i32
      %dma_start3A_169 = arith.constant 0 : i32
      %dma_start3A_170 = tpu.memref_slice %arg3[%dma_start3A_168, %dma_start3A_169] : memref<1000000x128xf32, #tpu.memory_space<hbm>> -> memref<1000000x128xf32, #tpu.memory_space<hbm>>
      tpu.enqueue_indirect_dma source(%dma_start3A_170 : memref<1000000x128xf32, #tpu.memory_space<hbm>>) target(%arg6 : memref<128x128xf32, #tpu.memory_space<vmem>>) offsets(%dma_start3A_167 : memref<128xi32, #tpu.memory_space<vmem>>) semaphore(%arg11 : memref<!tpu.dma_semaphore, #tpu.memory_space<semaphore_mem>>)
      %add3A_171 = arith.constant 1 : i32
      %add3A_172 = arith.addi %mul3A_140, %add3A_171 : i32
      %dma_wait3A_173 = arith.constant 0 : i32
      %dma_wait3A_174 = tpu.memref_slice %arg5[%add3A_172, %dma_wait3A_173] : memref<200x128xi32, #tpu.memory_space<vmem>> -> memref<1x128xi32, #tpu.memory_space<vmem>>
      %dma_wait3A_175 = tpu.memref_squeeze %dma_wait3A_174 : memref<1x128xi32, #tpu.memory_space<vmem>> -> memref<128xi32, #tpu.memory_space<vmem>>
      %dma_wait3A_176 = arith.constant 0 : i32
      %dma_wait3A_177 = arith.constant 0 : i32
      %dma_wait3A_178 = tpu.memref_slice %arg3[%dma_wait3A_176, %dma_wait3A_177] : memref<1000000x128xf32, #tpu.memory_space<hbm>> -> memref<1000000x128xf32, #tpu.memory_space<hbm>>
      tpu.wait_indirect_dma semaphore(%arg12 : memref<!tpu.dma_semaphore, #tpu.memory_space<semaphore_mem>>) src(%dma_wait3A_178 : memref<1000000x128xf32, #tpu.memory_space<hbm>>) dst(%arg7 : memref<128x128xf32, #tpu.memory_space<vmem>>)
      %mul3A_179 = arith.constant 128 : i32
      %mul3A_180 = arith.muli %add3A_172, %mul3A_179 : i32
      %add3A_181 = arith.addi %mul3A_4, %mul3A_180 : i32
      %dma_start3A_182 = arith.constant 0 : i32
      %dma_start3A_183 = tpu.memref_slice %arg4[%add3A_181, %dma_start3A_182] : memref<819200x128xf32, #tpu.memory_space<hbm>> -> memref<128x128xf32, #tpu.memory_space<hbm>>
      %dma_start3A_184 = arith.constant 0 : i32
      %dma_start3A_185 = tpu.memref_slice %arg4[%add3A_181, %dma_start3A_184] : memref<819200x128xf32, #tpu.memory_space<hbm>> -> memref<128x128xf32, #tpu.memory_space<hbm>>
      tpu.enqueue_dma source(%arg7 : memref<128x128xf32, #tpu.memory_space<vmem>>) target(%dma_start3A_185 : memref<128x128xf32, #tpu.memory_space<hbm>>) target_semaphore(%arg17 : memref<!tpu.dma_semaphore, #tpu.memory_space<semaphore_mem>>)
      %mul3A_186 = arith.constant 128 : i32
      %mul3A_187 = arith.muli %add3A_172, %mul3A_186 : i32
      %add3A_188 = arith.addi %mul3A_4, %mul3A_187 : i32
      %dma_wait3A_189 = arith.constant 0 : i32
      %dma_wait3A_190 = tpu.memref_slice %arg4[%add3A_188, %dma_wait3A_189] : memref<819200x128xf32, #tpu.memory_space<hbm>> -> memref<128x128xf32, #tpu.memory_space<hbm>>
      %dma_wait3A_191 = arith.constant 0 : i32
      %dma_wait3A_192 = tpu.memref_slice %arg4[%add3A_188, %dma_wait3A_191] : memref<819200x128xf32, #tpu.memory_space<hbm>> -> memref<128x128xf32, #tpu.memory_space<hbm>>
      tpu.wait_dma2 semaphore(%arg17 : memref<!tpu.dma_semaphore, #tpu.memory_space<semaphore_mem>>) src(%arg7 : memref<128x128xf32, #tpu.memory_space<vmem>>) dst(%dma_wait3A_192 : memref<128x128xf32, #tpu.memory_space<hbm>>)
      %add3A_193 = arith.constant 5 : i32
      %add3A_194 = arith.addi %add3A_172, %add3A_193 : i32
      %dma_start3A_195 = arith.constant 0 : i32
      %dma_start3A_196 = tpu.memref_slice %arg5[%add3A_194, %dma_start3A_195] : memref<200x128xi32, #tpu.memory_space<vmem>> -> memref<1x128xi32, #tpu.memory_space<vmem>>
      %dma_start3A_197 = tpu.memref_squeeze %dma_start3A_196 : memref<1x128xi32, #tpu.memory_space<vmem>> -> memref<128xi32, #tpu.memory_space<vmem>>
      %dma_start3A_198 = arith.constant 0 : i32
      %dma_start3A_199 = arith.constant 0 : i32
      %dma_start3A_200 = tpu.memref_slice %arg3[%dma_start3A_198, %dma_start3A_199] : memref<1000000x128xf32, #tpu.memory_space<hbm>> -> memref<1000000x128xf32, #tpu.memory_space<hbm>>
      tpu.enqueue_indirect_dma source(%dma_start3A_200 : memref<1000000x128xf32, #tpu.memory_space<hbm>>) target(%arg7 : memref<128x128xf32, #tpu.memory_space<vmem>>) offsets(%dma_start3A_197 : memref<128xi32, #tpu.memory_space<vmem>>) semaphore(%arg12 : memref<!tpu.dma_semaphore, #tpu.memory_space<semaphore_mem>>)
      %add3A_201 = arith.constant 2 : i32
      %add3A_202 = arith.addi %mul3A_140, %add3A_201 : i32
      %dma_wait3A_203 = arith.constant 0 : i32
      %dma_wait3A_204 = tpu.memref_slice %arg5[%add3A_202, %dma_wait3A_203] : memref<200x128xi32, #tpu.memory_space<vmem>> -> memref<1x128xi32, #tpu.memory_space<vmem>>
      %dma_wait3A_205 = tpu.memref_squeeze %dma_wait3A_204 : memref<1x128xi32, #tpu.memory_space<vmem>> -> memref<128xi32, #tpu.memory_space<vmem>>
      %dma_wait3A_206 = arith.constant 0 : i32
      %dma_wait3A_207 = arith.constant 0 : i32
      %dma_wait3A_208 = tpu.memref_slice %arg3[%dma_wait3A_206, %dma_wait3A_207] : memref<1000000x128xf32, #tpu.memory_space<hbm>> -> memref<1000000x128xf32, #tpu.memory_space<hbm>>
      tpu.wait_indirect_dma semaphore(%arg13 : memref<!tpu.dma_semaphore, #tpu.memory_space<semaphore_mem>>) src(%dma_wait3A_208 : memref<1000000x128xf32, #tpu.memory_space<hbm>>) dst(%arg8 : memref<128x128xf32, #tpu.memory_space<vmem>>)
      %mul3A_209 = arith.constant 128 : i32
      %mul3A_210 = arith.muli %add3A_202, %mul3A_209 : i32
      %add3A_211 = arith.addi %mul3A_4, %mul3A_210 : i32
      %dma_start3A_212 = arith.constant 0 : i32
      %dma_start3A_213 = tpu.memref_slice %arg4[%add3A_211, %dma_start3A_212] : memref<819200x128xf32, #tpu.memory_space<hbm>> -> memref<128x128xf32, #tpu.memory_space<hbm>>
      %dma_start3A_214 = arith.constant 0 : i32
      %dma_start3A_215 = tpu.memref_slice %arg4[%add3A_211, %dma_start3A_214] : memref<819200x128xf32, #tpu.memory_space<hbm>> -> memref<128x128xf32, #tpu.memory_space<hbm>>
      tpu.enqueue_dma source(%arg8 : memref<128x128xf32, #tpu.memory_space<vmem>>) target(%dma_start3A_215 : memref<128x128xf32, #tpu.memory_space<hbm>>) target_semaphore(%arg18 : memref<!tpu.dma_semaphore, #tpu.memory_space<semaphore_mem>>)
      %mul3A_216 = arith.constant 128 : i32
      %mul3A_217 = arith.muli %add3A_202, %mul3A_216 : i32
      %add3A_218 = arith.addi %mul3A_4, %mul3A_217 : i32
      %dma_wait3A_219 = arith.constant 0 : i32
      %dma_wait3A_220 = tpu.memref_slice %arg4[%add3A_218, %dma_wait3A_219] : memref<819200x128xf32, #tpu.memory_space<hbm>> -> memref<128x128xf32, #tpu.memory_space<hbm>>
      %dma_wait3A_221 = arith.constant 0 : i32
      %dma_wait3A_222 = tpu.memref_slice %arg4[%add3A_218, %dma_wait3A_221] : memref<819200x128xf32, #tpu.memory_space<hbm>> -> memref<128x128xf32, #tpu.memory_space<hbm>>
      tpu.wait_dma2 semaphore(%arg18 : memref<!tpu.dma_semaphore, #tpu.memory_space<semaphore_mem>>) src(%arg8 : memref<128x128xf32, #tpu.memory_space<vmem>>) dst(%dma_wait3A_222 : memref<128x128xf32, #tpu.memory_space<hbm>>)
      %add3A_223 = arith.constant 5 : i32
      %add3A_224 = arith.addi %add3A_202, %add3A_223 : i32
      %dma_start3A_225 = arith.constant 0 : i32
      %dma_start3A_226 = tpu.memref_slice %arg5[%add3A_224, %dma_start3A_225] : memref<200x128xi32, #tpu.memory_space<vmem>> -> memref<1x128xi32, #tpu.memory_space<vmem>>
      %dma_start3A_227 = tpu.memref_squeeze %dma_start3A_226 : memref<1x128xi32, #tpu.memory_space<vmem>> -> memref<128xi32, #tpu.memory_space<vmem>>
      %dma_start3A_228 = arith.constant 0 : i32
      %dma_start3A_229 = arith.constant 0 : i32
      %dma_start3A_230 = tpu.memref_slice %arg3[%dma_start3A_228, %dma_start3A_229] : memref<1000000x128xf32, #tpu.memory_space<hbm>> -> memref<1000000x128xf32, #tpu.memory_space<hbm>>
      tpu.enqueue_indirect_dma source(%dma_start3A_230 : memref<1000000x128xf32, #tpu.memory_space<hbm>>) target(%arg8 : memref<128x128xf32, #tpu.memory_space<vmem>>) offsets(%dma_start3A_227 : memref<128xi32, #tpu.memory_space<vmem>>) semaphore(%arg13 : memref<!tpu.dma_semaphore, #tpu.memory_space<semaphore_mem>>)
      %add3A_231 = arith.constant 3 : i32
      %add3A_232 = arith.addi %mul3A_140, %add3A_231 : i32
      %dma_wait3A_233 = arith.constant 0 : i32
      %dma_wait3A_234 = tpu.memref_slice %arg5[%add3A_232, %dma_wait3A_233] : memref<200x128xi32, #tpu.memory_space<vmem>> -> memref<1x128xi32, #tpu.memory_space<vmem>>
      %dma_wait3A_235 = tpu.memref_squeeze %dma_wait3A_234 : memref<1x128xi32, #tpu.memory_space<vmem>> -> memref<128xi32, #tpu.memory_space<vmem>>
      %dma_wait3A_236 = arith.constant 0 : i32
      %dma_wait3A_237 = arith.constant 0 : i32
      %dma_wait3A_238 = tpu.memref_slice %arg3[%dma_wait3A_236, %dma_wait3A_237] : memref<1000000x128xf32, #tpu.memory_space<hbm>> -> memref<1000000x128xf32, #tpu.memory_space<hbm>>
      tpu.wait_indirect_dma semaphore(%arg14 : memref<!tpu.dma_semaphore, #tpu.memory_space<semaphore_mem>>) src(%dma_wait3A_238 : memref<1000000x128xf32, #tpu.memory_space<hbm>>) dst(%arg9 : memref<128x128xf32, #tpu.memory_space<vmem>>)
      %mul3A_239 = arith.constant 128 : i32
      %mul3A_240 = arith.muli %add3A_232, %mul3A_239 : i32
      %add3A_241 = arith.addi %mul3A_4, %mul3A_240 : i32
      %dma_start3A_242 = arith.constant 0 : i32
      %dma_start3A_243 = tpu.memref_slice %arg4[%add3A_241, %dma_start3A_242] : memref<819200x128xf32, #tpu.memory_space<hbm>> -> memref<128x128xf32, #tpu.memory_space<hbm>>
      %dma_start3A_244 = arith.constant 0 : i32
      %dma_start3A_245 = tpu.memref_slice %arg4[%add3A_241, %dma_start3A_244] : memref<819200x128xf32, #tpu.memory_space<hbm>> -> memref<128x128xf32, #tpu.memory_space<hbm>>
      tpu.enqueue_dma source(%arg9 : memref<128x128xf32, #tpu.memory_space<vmem>>) target(%dma_start3A_245 : memref<128x128xf32, #tpu.memory_space<hbm>>) target_semaphore(%arg19 : memref<!tpu.dma_semaphore, #tpu.memory_space<semaphore_mem>>)
      %mul3A_246 = arith.constant 128 : i32
      %mul3A_247 = arith.muli %add3A_232, %mul3A_246 : i32
      %add3A_248 = arith.addi %mul3A_4, %mul3A_247 : i32
      %dma_wait3A_249 = arith.constant 0 : i32
      %dma_wait3A_250 = tpu.memref_slice %arg4[%add3A_248, %dma_wait3A_249] : memref<819200x128xf32, #tpu.memory_space<hbm>> -> memref<128x128xf32, #tpu.memory_space<hbm>>
      %dma_wait3A_251 = arith.constant 0 : i32
      %dma_wait3A_252 = tpu.memref_slice %arg4[%add3A_248, %dma_wait3A_251] : memref<819200x128xf32, #tpu.memory_space<hbm>> -> memref<128x128xf32, #tpu.memory_space<hbm>>
      tpu.wait_dma2 semaphore(%arg19 : memref<!tpu.dma_semaphore, #tpu.memory_space<semaphore_mem>>) src(%arg9 : memref<128x128xf32, #tpu.memory_space<vmem>>) dst(%dma_wait3A_252 : memref<128x128xf32, #tpu.memory_space<hbm>>)
      %add3A_253 = arith.constant 5 : i32
      %add3A_254 = arith.addi %add3A_232, %add3A_253 : i32
      %dma_start3A_255 = arith.constant 0 : i32
      %dma_start3A_256 = tpu.memref_slice %arg5[%add3A_254, %dma_start3A_255] : memref<200x128xi32, #tpu.memory_space<vmem>> -> memref<1x128xi32, #tpu.memory_space<vmem>>
      %dma_start3A_257 = tpu.memref_squeeze %dma_start3A_256 : memref<1x128xi32, #tpu.memory_space<vmem>> -> memref<128xi32, #tpu.memory_space<vmem>>
      %dma_start3A_258 = arith.constant 0 : i32
      %dma_start3A_259 = arith.constant 0 : i32
      %dma_start3A_260 = tpu.memref_slice %arg3[%dma_start3A_258, %dma_start3A_259] : memref<1000000x128xf32, #tpu.memory_space<hbm>> -> memref<1000000x128xf32, #tpu.memory_space<hbm>>
      tpu.enqueue_indirect_dma source(%dma_start3A_260 : memref<1000000x128xf32, #tpu.memory_space<hbm>>) target(%arg9 : memref<128x128xf32, #tpu.memory_space<vmem>>) offsets(%dma_start3A_257 : memref<128xi32, #tpu.memory_space<vmem>>) semaphore(%arg14 : memref<!tpu.dma_semaphore, #tpu.memory_space<semaphore_mem>>)
      %add3A_261 = arith.constant 4 : i32
      %add3A_262 = arith.addi %mul3A_140, %add3A_261 : i32
      %dma_wait3A_263 = arith.constant 0 : i32
      %dma_wait3A_264 = tpu.memref_slice %arg5[%add3A_262, %dma_wait3A_263] : memref<200x128xi32, #tpu.memory_space<vmem>> -> memref<1x128xi32, #tpu.memory_space<vmem>>
      %dma_wait3A_265 = tpu.memref_squeeze %dma_wait3A_264 : memref<1x128xi32, #tpu.memory_space<vmem>> -> memref<128xi32, #tpu.memory_space<vmem>>
      %dma_wait3A_266 = arith.constant 0 : i32
      %dma_wait3A_267 = arith.constant 0 : i32
      %dma_wait3A_268 = tpu.memref_slice %arg3[%dma_wait3A_266, %dma_wait3A_267] : memref<1000000x128xf32, #tpu.memory_space<hbm>> -> memref<1000000x128xf32, #tpu.memory_space<hbm>>
      tpu.wait_indirect_dma semaphore(%arg15 : memref<!tpu.dma_semaphore, #tpu.memory_space<semaphore_mem>>) src(%dma_wait3A_268 : memref<1000000x128xf32, #tpu.memory_space<hbm>>) dst(%arg10 : memref<128x128xf32, #tpu.memory_space<vmem>>)
      %mul3A_269 = arith.constant 128 : i32
      %mul3A_270 = arith.muli %add3A_262, %mul3A_269 : i32
      %add3A_271 = arith.addi %mul3A_4, %mul3A_270 : i32
      %dma_start3A_272 = arith.constant 0 : i32
      %dma_start3A_273 = tpu.memref_slice %arg4[%add3A_271, %dma_start3A_272] : memref<819200x128xf32, #tpu.memory_space<hbm>> -> memref<128x128xf32, #tpu.memory_space<hbm>>
      %dma_start3A_274 = arith.constant 0 : i32
      %dma_start3A_275 = tpu.memref_slice %arg4[%add3A_271, %dma_start3A_274] : memref<819200x128xf32, #tpu.memory_space<hbm>> -> memref<128x128xf32, #tpu.memory_space<hbm>>
      tpu.enqueue_dma source(%arg10 : memref<128x128xf32, #tpu.memory_space<vmem>>) target(%dma_start3A_275 : memref<128x128xf32, #tpu.memory_space<hbm>>) target_semaphore(%arg20 : memref<!tpu.dma_semaphore, #tpu.memory_space<semaphore_mem>>)
      %mul3A_276 = arith.constant 128 : i32
      %mul3A_277 = arith.muli %add3A_262, %mul3A_276 : i32
      %add3A_278 = arith.addi %mul3A_4, %mul3A_277 : i32
      %dma_wait3A_279 = arith.constant 0 : i32
      %dma_wait3A_280 = tpu.memref_slice %arg4[%add3A_278, %dma_wait3A_279] : memref<819200x128xf32, #tpu.memory_space<hbm>> -> memref<128x128xf32, #tpu.memory_space<hbm>>
      %dma_wait3A_281 = arith.constant 0 : i32
      %dma_wait3A_282 = tpu.memref_slice %arg4[%add3A_278, %dma_wait3A_281] : memref<819200x128xf32, #tpu.memory_space<hbm>> -> memref<128x128xf32, #tpu.memory_space<hbm>>
      tpu.wait_dma2 semaphore(%arg20 : memref<!tpu.dma_semaphore, #tpu.memory_space<semaphore_mem>>) src(%arg10 : memref<128x128xf32, #tpu.memory_space<vmem>>) dst(%dma_wait3A_282 : memref<128x128xf32, #tpu.memory_space<hbm>>)
      %add3A_283 = arith.constant 5 : i32
      %add3A_284 = arith.addi %add3A_262, %add3A_283 : i32
      %dma_start3A_285 = arith.constant 0 : i32
      %dma_start3A_286 = tpu.memref_slice %arg5[%add3A_284, %dma_start3A_285] : memref<200x128xi32, #tpu.memory_space<vmem>> -> memref<1x128xi32, #tpu.memory_space<vmem>>
      %dma_start3A_287 = tpu.memref_squeeze %dma_start3A_286 : memref<1x128xi32, #tpu.memory_space<vmem>> -> memref<128xi32, #tpu.memory_space<vmem>>
      %dma_start3A_288 = arith.constant 0 : i32
      %dma_start3A_289 = arith.constant 0 : i32
      %dma_start3A_290 = tpu.memref_slice %arg3[%dma_start3A_288, %dma_start3A_289] : memref<1000000x128xf32, #tpu.memory_space<hbm>> -> memref<1000000x128xf32, #tpu.memory_space<hbm>>
      tpu.enqueue_indirect_dma source(%dma_start3A_290 : memref<1000000x128xf32, #tpu.memory_space<hbm>>) target(%arg10 : memref<128x128xf32, #tpu.memory_space<vmem>>) offsets(%dma_start3A_287 : memref<128xi32, #tpu.memory_space<vmem>>) semaphore(%arg15 : memref<!tpu.dma_semaphore, #tpu.memory_space<semaphore_mem>>)
    }
    %scan3A_43 = arith.constant 39 : i32
    %dma_wait3A = arith.constant 195 : i32
    %dma_wait3A_44 = arith.constant 0 : i32
    %dma_wait3A_45 = tpu.memref_slice %arg5[%dma_wait3A, %dma_wait3A_44] : memref<200x128xi32, #tpu.memory_space<vmem>> -> memref<1x128xi32, #tpu.memory_space<vmem>>
    %dma_wait3A_46 = tpu.memref_squeeze %dma_wait3A_45 : memref<1x128xi32, #tpu.memory_space<vmem>> -> memref<128xi32, #tpu.memory_space<vmem>>
    %dma_wait3A_47 = arith.constant 0 : i32
    %dma_wait3A_48 = arith.constant 0 : i32
    %dma_wait3A_49 = tpu.memref_slice %arg3[%dma_wait3A_47, %dma_wait3A_48] : memref<1000000x128xf32, #tpu.memory_space<hbm>> -> memref<1000000x128xf32, #tpu.memory_space<hbm>>
    tpu.wait_indirect_dma semaphore(%arg11 : memref<!tpu.dma_semaphore, #tpu.memory_space<semaphore_mem>>) src(%dma_wait3A_49 : memref<1000000x128xf32, #tpu.memory_space<hbm>>) dst(%arg6 : memref<128x128xf32, #tpu.memory_space<vmem>>)
    %add3A_50 = arith.constant 24960 : i32
    %add3A_51 = arith.addi %mul3A_4, %add3A_50 : i32
    %dma_start3A_52 = arith.constant 0 : i32
    %dma_start3A_53 = tpu.memref_slice %arg4[%add3A_51, %dma_start3A_52] : memref<819200x128xf32, #tpu.memory_space<hbm>> -> memref<128x128xf32, #tpu.memory_space<hbm>>
    %dma_start3A_54 = arith.constant 0 : i32
    %dma_start3A_55 = tpu.memref_slice %arg4[%add3A_51, %dma_start3A_54] : memref<819200x128xf32, #tpu.memory_space<hbm>> -> memref<128x128xf32, #tpu.memory_space<hbm>>
    tpu.enqueue_dma source(%arg6 : memref<128x128xf32, #tpu.memory_space<vmem>>) target(%dma_start3A_55 : memref<128x128xf32, #tpu.memory_space<hbm>>) target_semaphore(%arg16 : memref<!tpu.dma_semaphore, #tpu.memory_space<semaphore_mem>>)
    %dma_wait3A_56 = arith.constant 196 : i32
    %dma_wait3A_57 = arith.constant 0 : i32
    %dma_wait3A_58 = tpu.memref_slice %arg5[%dma_wait3A_56, %dma_wait3A_57] : memref<200x128xi32, #tpu.memory_space<vmem>> -> memref<1x128xi32, #tpu.memory_space<vmem>>
    %dma_wait3A_59 = tpu.memref_squeeze %dma_wait3A_58 : memref<1x128xi32, #tpu.memory_space<vmem>> -> memref<128xi32, #tpu.memory_space<vmem>>
    %dma_wait3A_60 = arith.constant 0 : i32
    %dma_wait3A_61 = arith.constant 0 : i32
    %dma_wait3A_62 = tpu.memref_slice %arg3[%dma_wait3A_60, %dma_wait3A_61] : memref<1000000x128xf32, #tpu.memory_space<hbm>> -> memref<1000000x128xf32, #tpu.memory_space<hbm>>
    tpu.wait_indirect_dma semaphore(%arg12 : memref<!tpu.dma_semaphore, #tpu.memory_space<semaphore_mem>>) src(%dma_wait3A_62 : memref<1000000x128xf32, #tpu.memory_space<hbm>>) dst(%arg7 : memref<128x128xf32, #tpu.memory_space<vmem>>)
    %add3A_63 = arith.constant 25088 : i32
    %add3A_64 = arith.addi %mul3A_4, %add3A_63 : i32
    %dma_start3A_65 = arith.constant 0 : i32
    %dma_start3A_66 = tpu.memref_slice %arg4[%add3A_64, %dma_start3A_65] : memref<819200x128xf32, #tpu.memory_space<hbm>> -> memref<128x128xf32, #tpu.memory_space<hbm>>
    %dma_start3A_67 = arith.constant 0 : i32
    %dma_start3A_68 = tpu.memref_slice %arg4[%add3A_64, %dma_start3A_67] : memref<819200x128xf32, #tpu.memory_space<hbm>> -> memref<128x128xf32, #tpu.memory_space<hbm>>
    tpu.enqueue_dma source(%arg7 : memref<128x128xf32, #tpu.memory_space<vmem>>) target(%dma_start3A_68 : memref<128x128xf32, #tpu.memory_space<hbm>>) target_semaphore(%arg17 : memref<!tpu.dma_semaphore, #tpu.memory_space<semaphore_mem>>)
    %dma_wait3A_69 = arith.constant 197 : i32
    %dma_wait3A_70 = arith.constant 0 : i32
    %dma_wait3A_71 = tpu.memref_slice %arg5[%dma_wait3A_69, %dma_wait3A_70] : memref<200x128xi32, #tpu.memory_space<vmem>> -> memref<1x128xi32, #tpu.memory_space<vmem>>
    %dma_wait3A_72 = tpu.memref_squeeze %dma_wait3A_71 : memref<1x128xi32, #tpu.memory_space<vmem>> -> memref<128xi32, #tpu.memory_space<vmem>>
    %dma_wait3A_73 = arith.constant 0 : i32
    %dma_wait3A_74 = arith.constant 0 : i32
    %dma_wait3A_75 = tpu.memref_slice %arg3[%dma_wait3A_73, %dma_wait3A_74] : memref<1000000x128xf32, #tpu.memory_space<hbm>> -> memref<1000000x128xf32, #tpu.memory_space<hbm>>
    tpu.wait_indirect_dma semaphore(%arg13 : memref<!tpu.dma_semaphore, #tpu.memory_space<semaphore_mem>>) src(%dma_wait3A_75 : memref<1000000x128xf32, #tpu.memory_space<hbm>>) dst(%arg8 : memref<128x128xf32, #tpu.memory_space<vmem>>)
    %add3A_76 = arith.constant 25216 : i32
    %add3A_77 = arith.addi %mul3A_4, %add3A_76 : i32
    %dma_start3A_78 = arith.constant 0 : i32
    %dma_start3A_79 = tpu.memref_slice %arg4[%add3A_77, %dma_start3A_78] : memref<819200x128xf32, #tpu.memory_space<hbm>> -> memref<128x128xf32, #tpu.memory_space<hbm>>
    %dma_start3A_80 = arith.constant 0 : i32
    %dma_start3A_81 = tpu.memref_slice %arg4[%add3A_77, %dma_start3A_80] : memref<819200x128xf32, #tpu.memory_space<hbm>> -> memref<128x128xf32, #tpu.memory_space<hbm>>
    tpu.enqueue_dma source(%arg8 : memref<128x128xf32, #tpu.memory_space<vmem>>) target(%dma_start3A_81 : memref<128x128xf32, #tpu.memory_space<hbm>>) target_semaphore(%arg18 : memref<!tpu.dma_semaphore, #tpu.memory_space<semaphore_mem>>)
    %dma_wait3A_82 = arith.constant 198 : i32
    %dma_wait3A_83 = arith.constant 0 : i32
    %dma_wait3A_84 = tpu.memref_slice %arg5[%dma_wait3A_82, %dma_wait3A_83] : memref<200x128xi32, #tpu.memory_space<vmem>> -> memref<1x128xi32, #tpu.memory_space<vmem>>
    %dma_wait3A_85 = tpu.memref_squeeze %dma_wait3A_84 : memref<1x128xi32, #tpu.memory_space<vmem>> -> memref<128xi32, #tpu.memory_space<vmem>>
    %dma_wait3A_86 = arith.constant 0 : i32
    %dma_wait3A_87 = arith.constant 0 : i32
    %dma_wait3A_88 = tpu.memref_slice %arg3[%dma_wait3A_86, %dma_wait3A_87] : memref<1000000x128xf32, #tpu.memory_space<hbm>> -> memref<1000000x128xf32, #tpu.memory_space<hbm>>
    tpu.wait_indirect_dma semaphore(%arg14 : memref<!tpu.dma_semaphore, #tpu.memory_space<semaphore_mem>>) src(%dma_wait3A_88 : memref<1000000x128xf32, #tpu.memory_space<hbm>>) dst(%arg9 : memref<128x128xf32, #tpu.memory_space<vmem>>)
    %add3A_89 = arith.constant 25344 : i32
    %add3A_90 = arith.addi %mul3A_4, %add3A_89 : i32
    %dma_start3A_91 = arith.constant 0 : i32
    %dma_start3A_92 = tpu.memref_slice %arg4[%add3A_90, %dma_start3A_91] : memref<819200x128xf32, #tpu.memory_space<hbm>> -> memref<128x128xf32, #tpu.memory_space<hbm>>
    %dma_start3A_93 = arith.constant 0 : i32
    %dma_start3A_94 = tpu.memref_slice %arg4[%add3A_90, %dma_start3A_93] : memref<819200x128xf32, #tpu.memory_space<hbm>> -> memref<128x128xf32, #tpu.memory_space<hbm>>
    tpu.enqueue_dma source(%arg9 : memref<128x128xf32, #tpu.memory_space<vmem>>) target(%dma_start3A_94 : memref<128x128xf32, #tpu.memory_space<hbm>>) target_semaphore(%arg19 : memref<!tpu.dma_semaphore, #tpu.memory_space<semaphore_mem>>)
    %dma_wait3A_95 = arith.constant 199 : i32
    %dma_wait3A_96 = arith.constant 0 : i32
    %dma_wait3A_97 = tpu.memref_slice %arg5[%dma_wait3A_95, %dma_wait3A_96] : memref<200x128xi32, #tpu.memory_space<vmem>> -> memref<1x128xi32, #tpu.memory_space<vmem>>
    %dma_wait3A_98 = tpu.memref_squeeze %dma_wait3A_97 : memref<1x128xi32, #tpu.memory_space<vmem>> -> memref<128xi32, #tpu.memory_space<vmem>>
    %dma_wait3A_99 = arith.constant 0 : i32
    %dma_wait3A_100 = arith.constant 0 : i32
    %dma_wait3A_101 = tpu.memref_slice %arg3[%dma_wait3A_99, %dma_wait3A_100] : memref<1000000x128xf32, #tpu.memory_space<hbm>> -> memref<1000000x128xf32, #tpu.memory_space<hbm>>
    tpu.wait_indirect_dma semaphore(%arg15 : memref<!tpu.dma_semaphore, #tpu.memory_space<semaphore_mem>>) src(%dma_wait3A_101 : memref<1000000x128xf32, #tpu.memory_space<hbm>>) dst(%arg10 : memref<128x128xf32, #tpu.memory_space<vmem>>)
    %add3A_102 = arith.constant 25472 : i32
    %add3A_103 = arith.addi %mul3A_4, %add3A_102 : i32
    %dma_start3A_104 = arith.constant 0 : i32
    %dma_start3A_105 = tpu.memref_slice %arg4[%add3A_103, %dma_start3A_104] : memref<819200x128xf32, #tpu.memory_space<hbm>> -> memref<128x128xf32, #tpu.memory_space<hbm>>
    %dma_start3A_106 = arith.constant 0 : i32
    %dma_start3A_107 = tpu.memref_slice %arg4[%add3A_103, %dma_start3A_106] : memref<819200x128xf32, #tpu.memory_space<hbm>> -> memref<128x128xf32, #tpu.memory_space<hbm>>
    tpu.enqueue_dma source(%arg10 : memref<128x128xf32, #tpu.memory_space<vmem>>) target(%dma_start3A_107 : memref<128x128xf32, #tpu.memory_space<hbm>>) target_semaphore(%arg20 : memref<!tpu.dma_semaphore, #tpu.memory_space<semaphore_mem>>)
    %add3A_108 = arith.constant 24960 : i32
    %add3A_109 = arith.addi %mul3A_4, %add3A_108 : i32
    %dma_wait3A_110 = arith.constant 0 : i32
    %dma_wait3A_111 = tpu.memref_slice %arg4[%add3A_109, %dma_wait3A_110] : memref<819200x128xf32, #tpu.memory_space<hbm>> -> memref<128x128xf32, #tpu.memory_space<hbm>>
    %dma_wait3A_112 = arith.constant 0 : i32
    %dma_wait3A_113 = tpu.memref_slice %arg4[%add3A_109, %dma_wait3A_112] : memref<819200x128xf32, #tpu.memory_space<hbm>> -> memref<128x128xf32, #tpu.memory_space<hbm>>
    tpu.wait_dma2 semaphore(%arg16 : memref<!tpu.dma_semaphore, #tpu.memory_space<semaphore_mem>>) src(%arg6 : memref<128x128xf32, #tpu.memory_space<vmem>>) dst(%dma_wait3A_113 : memref<128x128xf32, #tpu.memory_space<hbm>>)
    %add3A_114 = arith.constant 25088 : i32
    %add3A_115 = arith.addi %mul3A_4, %add3A_114 : i32
    %dma_wait3A_116 = arith.constant 0 : i32
    %dma_wait3A_117 = tpu.memref_slice %arg4[%add3A_115, %dma_wait3A_116] : memref<819200x128xf32, #tpu.memory_space<hbm>> -> memref<128x128xf32, #tpu.memory_space<hbm>>
    %dma_wait3A_118 = arith.constant 0 : i32
    %dma_wait3A_119 = tpu.memref_slice %arg4[%add3A_115, %dma_wait3A_118] : memref<819200x128xf32, #tpu.memory_space<hbm>> -> memref<128x128xf32, #tpu.memory_space<hbm>>
    tpu.wait_dma2 semaphore(%arg17 : memref<!tpu.dma_semaphore, #tpu.memory_space<semaphore_mem>>) src(%arg7 : memref<128x128xf32, #tpu.memory_space<vmem>>) dst(%dma_wait3A_119 : memref<128x128xf32, #tpu.memory_space<hbm>>)
    %add3A_120 = arith.constant 25216 : i32
    %add3A_121 = arith.addi %mul3A_4, %add3A_120 : i32
    %dma_wait3A_122 = arith.constant 0 : i32
    %dma_wait3A_123 = tpu.memref_slice %arg4[%add3A_121, %dma_wait3A_122] : memref<819200x128xf32, #tpu.memory_space<hbm>> -> memref<128x128xf32, #tpu.memory_space<hbm>>
    %dma_wait3A_124 = arith.constant 0 : i32
    %dma_wait3A_125 = tpu.memref_slice %arg4[%add3A_121, %dma_wait3A_124] : memref<819200x128xf32, #tpu.memory_space<hbm>> -> memref<128x128xf32, #tpu.memory_space<hbm>>
    tpu.wait_dma2 semaphore(%arg18 : memref<!tpu.dma_semaphore, #tpu.memory_space<semaphore_mem>>) src(%arg8 : memref<128x128xf32, #tpu.memory_space<vmem>>) dst(%dma_wait3A_125 : memref<128x128xf32, #tpu.memory_space<hbm>>)
    %add3A_126 = arith.constant 25344 : i32
    %add3A_127 = arith.addi %mul3A_4, %add3A_126 : i32
    %dma_wait3A_128 = arith.constant 0 : i32
    %dma_wait3A_129 = tpu.memref_slice %arg4[%add3A_127, %dma_wait3A_128] : memref<819200x128xf32, #tpu.memory_space<hbm>> -> memref<128x128xf32, #tpu.memory_space<hbm>>
    %dma_wait3A_130 = arith.constant 0 : i32
    %dma_wait3A_131 = tpu.memref_slice %arg4[%add3A_127, %dma_wait3A_130] : memref<819200x128xf32, #tpu.memory_space<hbm>> -> memref<128x128xf32, #tpu.memory_space<hbm>>
    tpu.wait_dma2 semaphore(%arg19 : memref<!tpu.dma_semaphore, #tpu.memory_space<semaphore_mem>>) src(%arg9 : memref<128x128xf32, #tpu.memory_space<vmem>>) dst(%dma_wait3A_131 : memref<128x128xf32, #tpu.memory_space<hbm>>)
    %add3A_132 = arith.constant 25472 : i32
    %add3A_133 = arith.addi %mul3A_4, %add3A_132 : i32
    %dma_wait3A_134 = arith.constant 0 : i32
    %dma_wait3A_135 = tpu.memref_slice %arg4[%add3A_133, %dma_wait3A_134] : memref<819200x128xf32, #tpu.memory_space<hbm>> -> memref<128x128xf32, #tpu.memory_space<hbm>>
    %dma_wait3A_136 = arith.constant 0 : i32
    %dma_wait3A_137 = tpu.memref_slice %arg4[%add3A_133, %dma_wait3A_136] : memref<819200x128xf32, #tpu.memory_space<hbm>> -> memref<128x128xf32, #tpu.memory_space<hbm>>
    tpu.wait_dma2 semaphore(%arg20 : memref<!tpu.dma_semaphore, #tpu.memory_space<semaphore_mem>>) src(%arg10 : memref<128x128xf32, #tpu.memory_space<vmem>>) dst(%dma_wait3A_137 : memref<128x128xf32, #tpu.memory_space<hbm>>)
    return
  }
}

</mosaic_0001>

<sc_bundles>
// kernel: kernel.3.cloned.1.call-start
scs
__scs_entry_jumppad:
0x0: {  	(pc) =	sbr.rel $0x88, $3  }
0x1: {  	(tag) =	ssettag $0x0;
	lr =	simm.s32 $0x1  }
0x2: {  	[smem:$0x3F9F] =	sst lr;
	_ =	strace $0xD0000000  }
0x3: {  	_ = 	snop  }
0x4: {  	_ = 	snop  }
0x5: {  	_ = 	snop  }
0x6: {  	_ = 	snop  }
0x7: {  	_ = 	snop  }
__scs_overlays_trampoline_lowered:
0x8: {  	[smem:$0x3FAE] =	sst s0  }
0x9: {  	[smem:$0x3FAF] =	sst s1  }
0xa: {  	[smem:$0x3FB0] =	sst s2  }
0xb: {  	[smem:$0x3FB1] =	sst s3  }
0xc: {  	[smem:$0x3FB2] =	sst s4  }
0xd: {  	[smem:$0x3FB3] =	sst s5  }
0xe: {  	[smem:$0x3FB4] =	sst s6  }
0xf: {  	[smem:$0x3FB5] =	sst s7  }
0x10: {  	[smem:$0x3FB6] =	sst s8  }
0x11: {  	[smem:$0x3FB7] =	sst s9;
	s0 =	simm.s32 @!p0 $0x0  }
0x12: {  	s1 =	sld [smem:$0x3F9D];
	s0 =	simm.s32 @p0 $0x1  }
0x13: {  	[smem:$0x3FB8] =	sst s0;
	s0 =	simm.s32 @!p1 $0x0  }
0x14: {  	s2 =	sld [smem:$0x3F9C];
	s0 =	simm.s32 @p1 $0x1  }
0x15: {  	[smem:$0x3FB9] =	sst s0;
	s0 =	simm.s32 @!p2 $0x0  }
0x16: {  	s3 =	sld [smem:$0x3FDB];
	s0 =	simm.s32 @p2 $0x1  }
0x17: {  	s4 =	simm.s32 $0x1BF5;
	[smem:$0x3FBB] =	sst s0  }
0x18: {  	s0 =	sld [smem:$0x3F9E];
	_ =	swait.ge [sflag:s4], $0x0  }
0x19: {  	s7 =	sld [smem:$0x3F9F]  }
0x1a: {  	s8 =	sadd.s32 $0xFFFFE003, lr  }
0x1b: {  	s9 =	sadd.s32 $0xFFFFFEF7, lr;
	s5 =	simm.s32 $0xFFFFFFFF;
	p2 =	slt.u32 s8, $0xFFFFF086  }
0x1c: {  	p1 =	slt.u32 s9, $0xF7A;
	s5 =	simm.s32 @!p2 $0x0  }
0x1d: {  	s5 =	simm.s32 @p1 $0x1;
	p0 =	seq.s32 s7, s2  }
0x1e: {  	s7 =	smul.u32 @!p0 $0xF7A, s2;
	p2 =	seq.s32 @!p0 s5, $0x0  }
0x1f: {  	s9 =	smul.u32 $0xF7A, s1;
	s8 =	simm.s32 @!p0 $0x1BF5;
	p2 =	por !p2, p0  }
0x20: {  	[sflag:s8] =	ssyncset.s32 @!p0 $0xFFFFF086;
	s6 =	sadd.s32 @!p0 s3, s7;
	s7 =	simm.s32 @!p0 $0x108  }
0x21: {  	s3 =	sadd.s32 s3, s9;
	s6 =	sadd.s32 @!p0 $0x88, s6;
	s7 =	simm.s32 @p2 $0x1082  }
0x22: {  	[simem:s7], [sflag:s8] =	dma.local @!p0 [hbm:s6], $0xF7A  }
0x23: {  	s9 =	sor.u32 $0xD0000000, s2;
	s6 =	simm.s32 $0x108;
	_ =	swait.ge @!p0 [sflag:s8], $0x0  }
0x24: {  	s3 =	sadd.s32 $0x88, s3;
	s6 =	simm.s32 @!p1 $0x1082;
	[sflag:s4] =	ssyncset.s32 $0xFFFFF086  }
0x25: {  	[simem:s6], [sflag:s4] =	dma.local [hbm:s3], $0xF7A  }
0x26: {  	[smem:$0x3F9F] =	sst s1;
	(tag) =	ssettag s2;
	_ =	strace s9  }
0x27: {  	s1 =	sld [smem:$0x3FAF]  }
0x28: {  	s2 =	sld [smem:$0x3FB0]  }
0x29: {  	s4 =	sld [smem:$0x3FB2]  }
0x2a: {  	p0 =	seq.s32 s5, $0x0;
	s5 =	sld [smem:$0x3FB3]  }
0x2b: {  	s6 =	sld [smem:$0x3FB4]  }
0x2c: {  	s7 =	sld [smem:$0x3FB5]  }
0x2d: {  	s3 =	simm.s32 $0x108;
	s8 =	sld [smem:$0x3FB6]  }
0x2e: {  	s3 =	simm.s32 @!p0 $0x1082;
	s9 =	sld [smem:$0x3FB7]  }
0x2f: {  	lr =	sadd.s32 s0, s3;
	s0 =	sld [smem:$0x3FAE]  }
0x30: {  	s3 =	sld [smem:$0x3FB1]  }
0x31: {  	[smem:$0x3FBA] =	sst s10  }
0x32: {  	s10 =	sld [smem:$0x3FB8];
	_ =	sdelay $0x3  }
0x33: {  	p0 =	seq.s32 s10, $0x1;
	s10 =	sld [smem:$0x3FBA];
	_ =	sdelay $0x3  }
0x34: {  	[smem:$0x3FBA] =	sst s10  }
0x35: {  	s10 =	sld [smem:$0x3FB9];
	_ =	sdelay $0x3  }
0x36: {  	p1 =	seq.s32 s10, $0x1;
	s10 =	sld [smem:$0x3FBA];
	_ =	sdelay $0x3  }
0x37: {  	[smem:$0x3FBA] =	sst s10  }
0x38: {  	s10 =	sld [smem:$0x3FBB]  }
0x39: {  	_ = 	snop;
	(pc) =	sbr.ind lr, $3  }
0x3a: {  	_ = 	snop  }
0x3b: {  	_ = 	snop  }
0x3c: {  	p2 =	seq.s32 s10, $0x1;
	s10 =	sld [smem:$0x3FBA]  }
0x3d: {  	_ =	shalt  }
0x3e: {  	_ =	shalt  }
0x3f: {  	_ =	shalt  }
0x40: {  	_ =	shalt  }
0x41: {  	_ =	shalt  }
0x42: {  	_ =	shalt  }
0x43: {  	_ =	shalt  }
0x44: {  	_ =	shalt  }
0x45: {  	_ =	shalt  }
0x46: {  	_ =	shalt  }
0x47: {  	_ =	shalt  }
0x48: {  	_ =	shalt  }
0x49: {  	_ =	shalt  }
0x4a: {  	_ =	shalt  }
0x4b: {  	_ =	shalt  }
0x4c: {  	_ =	shalt  }
0x4d: {  	_ =	shalt  }
0x4e: {  	_ =	shalt  }
0x4f: {  	_ =	shalt  }
0x50: {  	_ =	shalt  }
0x51: {  	_ =	shalt  }
0x52: {  	_ =	shalt  }
0x53: {  	_ =	shalt  }
0x54: {  	_ =	shalt  }
0x55: {  	_ =	shalt  }
0x56: {  	_ =	shalt  }
0x57: {  	_ =	shalt  }
0x58: {  	_ =	shalt  }
0x59: {  	_ =	shalt  }
0x5a: {  	_ =	shalt  }
0x5b: {  	_ =	shalt  }
0x5c: {  	_ =	shalt  }
0x5d: {  	_ =	shalt  }
0x5e: {  	_ =	shalt  }
0x5f: {  	_ =	shalt  }
0x60: {  	_ =	shalt  }
0x61: {  	_ =	shalt  }
0x62: {  	_ =	shalt  }
0x63: {  	_ =	shalt  }
0x64: {  	_ =	shalt  }
0x65: {  	_ =	shalt  }
0x66: {  	_ =	shalt  }
0x67: {  	_ =	shalt  }
0x68: {  	_ =	shalt  }
0x69: {  	_ =	shalt  }
0x6a: {  	_ =	shalt  }
0x6b: {  	_ =	shalt  }
0x6c: {  	_ =	shalt  }
0x6d: {  	_ =	shalt  }
0x6e: {  	_ =	shalt  }
0x6f: {  	_ =	shalt  }
0x70: {  	_ =	shalt  }
0x71: {  	_ =	shalt  }
0x72: {  	_ =	shalt  }
0x73: {  	_ =	shalt  }
0x74: {  	_ =	shalt  }
0x75: {  	_ =	shalt  }
0x76: {  	_ =	shalt  }
0x77: {  	_ =	shalt  }
0x78: {  	_ =	shalt  }
0x79: {  	_ =	shalt  }
0x7a: {  	_ =	shalt  }
0x7b: {  	_ =	shalt  }
0x7c: {  	_ =	shalt  }
0x7d: {  	_ =	shalt  }
0x7e: {  	_ =	shalt  }
0x7f: {  	_ =	shalt  }
0x80: {  	_ =	shalt  }
0x81: {  	_ =	shalt  }
0x82: {  	_ =	shalt  }
0x83: {  	_ =	shalt  }
0x84: {  	_ =	shalt  }
0x85: {  	_ =	shalt  }
0x86: {  	_ =	shalt  }
0x87: {  	_ =	shalt  }
.Lfunc_end0:
.L_simem_size_0:
called_computation_lowered:
.L_overlay_start_0:
0x88: {  	s2 =	sld [smem:$0x3FD9]  }
0x89: {  	s3 =	sld [smem:$0x3FFE];
	_ =	sdelay $0x1  }
0x8a: {  	s1 =	srdreg.scid  }
0x8b: {  	s0 =	sand.u32 $0x1, s1  }
0x8c: {  	s17 =	sshll.u32 s0, $0xA;
	s2 =	sadd.s32 s3, s2  }
0x8d: {  	s2 =	sadd.s32 s2, s17  }
0x8e: {  	[smem:$0x3FC6] =	sst s2  }
0x8f: {  	_ = 	snop  }
0x90: {  	s2 =	sld [smem:$0x3FC8]  }
0x91: {  	s18 =	sld [smem:$0x3FD0];
	(tm) =	ssettm $0x1  }
0x92: {  	s4 =	sld [smem:$0x3FFB];
	_ =	sdelay $0x3  }
0x93: {  	_ =	strace s4  }
0x94: {  	s4 =	sld [smem:$0x3FFC];
	_ =	sdelay $0x3  }
0x95: {  	_ =	strace s4  }
0x96: {  	s4 =	sld [smem:$0x3FFD];
	_ =	sdelay $0x3  }
0x97: {  	_ =	strace s4  }
0x98: {  	_ =	strace $0x8FFFFFFF  }
0x99: {  	s19 =	sld [smem:$0x3FDB];
	_ =	sdelay $0x1  }
0x9a: {  	s5 =	simm.s32 $_scs_section_size  }
0x9b: {  	s6 =	simm.s32 $_size__tile_overlayer_lowered;
	s7 =	simm.s32 $_tile_overlayer_lowered  }
0x9c: {  	s22 =	simm.s32 $0x1BFF;
	s21 =	sshll.u32 s7, $0x1;
	s4 =	sadd.s32 s5, s19  }
0x9d: {  	s8 =	simm.s32 $0x0;
	s20 =	sshll.u32 s6, $0x1;
	s6 =	sadd.s32 s21, s4  }
0x9e: {  	[timem:s8], [sflag:s22] =	dma.local [hbm:s6], s20  }
0x9f: {  	_ =	swait.ge [sflag:s22], s20  }
0xa0: {  	s5 =	ssub.s32 $0x0, s20;
	[sflag:s22] =	ssyncset.done $0x0  }
0xa1: {  	[sflag:s22] =	ssyncadd.s32 s5;
	_ =	sdelay $0x1  }
0xa2: {  	s23 =	simm.s32 $0x1B8B  }
0xa3: {  	_ =	swait.ge [sflag:s23], $0x1  }
0xa4: {  	[sflag:s23] =	ssyncset.done $0x0  }
0xa5: {  	s25 =	simm.s32 $0x1B8E;
	s24 =	sld [smem:$0x3FFE];
	[sflag:s23] =	ssyncadd.s32 $0xFFFFFFFF  }
0xa6: {  	s26 =	simm.s32 $execute0_lowered;
	[smem:$0x3FD2] =	sst s25  }
0xa7: {  	s6 =	sshll.u32 s26, $0x1;
	_ =	strace $0x80000046;
	[dreg:$0x1] =	wrdreg $0xFFFFFFFF  }
0xa8: {  	s28 =	simm.s32 $_size_execute0_lowered;
	s4 =	sadd.s32 s4, s6;
	[dreg:$0x0] =	wrdreg $0x0  }
0xa9: {  	s6 =	sshll.u32 s28, $0x1;
	[dreg:$0x2] =	wrdreg s4  }
0xaa: {  	[dreg:$0x3] =	wrdreg s6  }
0xab: {  	[dreg:$0x4] =	wrdreg $0xC0  }
0xac: {  	_ =	task [dreg:s8], $0x5FFFF  }
0xad: {  	[dreg:$0x1] =	wrdreg $0xFFFFFFFF  }
0xae: {  	[dreg:$0x0] =	wrdreg $0x60  }
0xaf: {  	[dreg:$0x2] =	wrdreg s24  }
0xb0: {  	[dreg:$0x3] =	wrdreg s2  }
0xb1: {  	[dreg:$0x4] =	wrdreg s18  }
0xb2: {  	[dreg:$0x5] =	wrdreg $0x9  }
0xb3: {  	_ =	task.clear_ibuf [dreg:s8], $0x6FFFF;
	_ =	strace $0x90000046  }
0xb4: {  	s29 =	simm.s32 $0x9;
	_ =	strace $0x80000048  }
0xb5: {  	_ =	swait.ge [sflag:s29], $0x1  }
0xb6: {  	[sflag:s29] =	ssyncadd.s32 $0xFFFFFFFF  }
0xb7: {  	_ =	strace $0x90000048  }
0xb8: {  	_ =	sfence  }
0xb9: {  	s30 =	sld [smem:$0x0];
	_ =	sdelay $0x2  }
0xba: {  	s31 =	sshll.u32 s1, $0xD;
	s1 =	sshrl.u32 s1, $0x2  }
0xbb: {  	s3 =	sand.u32 $0x4000, s31;
	s1 =	sadd.s32 s1, s30  }
0xbc: {  	s0 =	sor.u32 s3, s0;
	s1 =	sshll.u32 s1, $0x11  }
0xbd: {  	s0 =	sor.u32 s1, s0  }
0xbe: {  	s0 =	sadd.s32 $0x8F2B, s0  }
0xbf: {  	[sflag:s0] =	ssyncadd.remote.s32 $0x1  }
0xc0: {  	_ =	sfence.sel $0xFFFF  }
0xc1: {  	[dreg:$0x0] =	wrdreg $0xFFFFFFFF;
	(pc) =	sbr.abs _section_cstart, $3  }
0xc2: {  	[dreg:$0x1] =	wrdreg $0xFFFFFFFF  }
0xc3: {  	_ =	task.clear_ibuf [dreg:s8], $0x2FFFF;
	_ =	strace $0x9FFFFFFF  }
0xc4: {  	(tm) =	ssettm $0x7FFFFFFF  }
0xc5: {  	_ =	shalt  }
tec
execute0_lowered:
.L_overlay_start_1:
0x0: {  	(tag) =	ssettag $0x1  }
0x1: {  	s0 =	rddreg [dreg:$0x0]  }
0x2: {  	s1 =	srdreg.scid;
	s2 =	rddreg [dreg:$0x1]  }
0x3: {  	s8 =	stileid.u32;
	s7 =	rddreg [dreg:$0x2]  }
0x4: {  	s12 =	simm.s32 $0xB;
	s13 =	simm.s32 $0x80;
	s14 =	simm.s32 $0x6400  }
0x5: {  	s15 =	simm.s32 $0xA400;
	s17 =	simm.s32 $0xE400;
	s19 =	simm.s32 $0x12400  }
0x6: {  	s21 =	simm.s32 $0x16400;
	s22 =	simm.s32 $0x1;
	s23 =	simm.s32 $0x6  }
0x7: {  	s28 =	simm.s32 $0x8;
	s29 =	simm.s32 $0x4;
	s30 =	simm.s32 $0x9  }
0x8: {  	s1 =	sand.u32 $0x1, s1;
	s3 =	sshll.u32 s8, $0x1;
	s8 =	smul.u32 $0xC8000, s8  }
0x9: {  	s4 =	sor.u32 s1, s3;
	s6 =	ssub.s32 $0x2, s1;
	s1 =	smul.u32 $0x64000, s1  }
0xa: {  	s31 =	simm.s32 $0x5;
	s3 =	simm.s32 $0x0;
	s5 =	smul.u32 $0xC80, s4  }
0xb: {  	[smem:$0x7FF] =	sst s3;
	s4 =	smul.u32 $0x320000, s4;
	s24 =	sshrl.u32 s6, $0x1  }
0xc: {  	s9 =	sadd.s32 s8, s7;
	_ =	strace $0x80000047;
	s10 =	ssub.s32 s6, s24  }
0xd: {  	s1 =	sadd.s32 s1, s9;
	s24 =	simm.s32 $0x2;
	s0 =	sadd.s32 s5, s0  }
0xe: {  	s25 =	sshrl.u32 s4, $0x3;
	s10 =	smax.u32 s10, $0x1;
	s11 =	sadd.s32 $0x2000, s1  }
0xf: {  	s1 =	simm.s32 $0xA;
	s0 =	sadd.s32 $0x400, s0;
	s26 =	sadd.s32 s7, s25  }
0x10: {  	s25 =	simm.s32 $0x7;
	[dreg:$0x4] =	wrdreg s0;
	s5 =	sadd.s32 $0x61800, s26  }
0x11: {  	s6 =	sadd.s32 $0x62000, s26;
	s7 =	sadd.s32 $0x62800, s26;
	s8 =	sadd.s32 $0x63000, s26  }
0x12: {  	s9 =	sadd.s32 $0x63800, s26;
	s26 =	simm.s32 $0x3;
	s0 =	simm.s32 $0x0  }
.LBB2_1:
0x13: {  	s4 =	rddreg [dreg:$0x4]  }
0x14: {  	[tilespmem:s3], [sflag:$0xB] =	stream.linear.gather [hbm4b:s4+s3], $0x6400, $0x38;
	[tilespmem:$0x1A400] =	vst v63  }
0x15: {  	_ =	swait.ge [sflag:s12], $0x6400  }
0x16: {  	[sflag:s12] =	ssyncset.done $0x0  }
0x17: {  	[sflag:s12] =	ssyncadd.s32 $0xFFFF9C00  }
0x18: {  	[tilespmem:s14], [sflag:$0x1] =	stream.indirect.gather [hbm4b:s2+s13], $0x80, s3, s13, $0xb8;
	[tilespmem:$0x1A400] =	vst v63  }
0x19: {  	_ = 	snop  }
0x1a: {  	[tilespmem:s15], [sflag:$0x2] =	stream.indirect.gather [hbm4b:s2+s13], $0x80, s13, s13, $0xb8;
	[tilespmem:$0x1A400] =	vst v63  }
0x1b: {  	s20 =	simm.s32 $0x100  }
0x1c: {  	[tilespmem:s17], [sflag:$0x3] =	stream.indirect.gather [hbm4b:s2+s13], $0x80, s20, s13, $0xb8;
	[tilespmem:$0x1A400] =	vst v63  }
0x1d: {  	s16 =	simm.s32 $0x180  }
0x1e: {  	[tilespmem:s19], [sflag:$0x4] =	stream.indirect.gather [hbm4b:s2+s13], $0x80, s16, s13, $0xb8;
	[tilespmem:$0x1A400] =	vst v63  }
0x1f: {  	s18 =	simm.s32 $0x200  }
0x20: {  	[tilespmem:s21], [sflag:$0x5] =	stream.indirect.gather [hbm4b:s2+s13], $0x80, s18, s13, $0xb8;
	[tilespmem:$0x1A400] =	vst v63  }
0x21: {  	_ =	swait.ge [sflag:s22], $0x4000  }
0x22: {  	[sflag:s22] =	ssyncset.done $0x0  }
0x23: {  	s16 =	sadd.s32 $0xFFFFE000, s11;
	[sflag:s22] =	ssyncadd.s32 $0xFFFFC000  }
0x24: {  	[hbm4b:s16+s3] =	stream.linear.scatter [tilespmem:s14], [sflag:$0x6], $0x4000, $0x38;
	[tilespmem:$0x1A400] =	vst v63  }
0x25: {  	_ =	swait.ge [sflag:s23], $0x4000  }
0x26: {  	[sflag:s23] =	ssyncset.done $0x0  }
0x27: {  	s20 =	simm.s32 $0x280;
	[sflag:s23] =	ssyncadd.s32 $0xFFFFC000  }
0x28: {  	[tilespmem:s14], [sflag:$0x1] =	stream.indirect.gather [hbm4b:s2+s13], $0x80, s20, s13, $0xb8;
	[tilespmem:$0x1A400] =	vst v63  }
0x29: {  	_ =	swait.ge [sflag:s24], $0x4000  }
0x2a: {  	[sflag:s24] =	ssyncset.done $0x0  }
0x2b: {  	s4 =	sadd.s32 $0xFFFFE800, s11;
	[sflag:s24] =	ssyncadd.s32 $0xFFFFC000  }
0x2c: {  	[hbm4b:s4+s3] =	stream.linear.scatter [tilespmem:s15], [sflag:$0x7], $0x4000, $0x38;
	[tilespmem:$0x1A400] =	vst v63  }
0x2d: {  	_ =	swait.ge [sflag:s25], $0x4000  }
0x2e: {  	[sflag:s25] =	ssyncset.done $0x0  }
0x2f: {  	s18 =	simm.s32 $0x300;
	[sflag:s25] =	ssyncadd.s32 $0xFFFFC000  }
0x30: {  	[tilespmem:s15], [sflag:$0x2] =	stream.indirect.gather [hbm4b:s2+s13], $0x80, s18, s13, $0xb8;
	[tilespmem:$0x1A400] =	vst v63  }
0x31: {  	_ =	swait.ge [sflag:s26], $0x4000  }
0x32: {  	[sflag:s26] =	ssyncset.done $0x0  }
0x33: {  	s20 =	sadd.s32 $0xFFFFF000, s11;
	[sflag:s26] =	ssyncadd.s32 $0xFFFFC000  }
0x34: {  	[hbm4b:s20+s3] =	stream.linear.scatter [tilespmem:s17], [sflag:$0x8], $0x4000, $0x38;
	[tilespmem:$0x1A400] =	vst v63  }
0x35: {  	_ =	swait.ge [sflag:s28], $0x4000  }
0x36: {  	[sflag:s28] =	ssyncset.done $0x0  }
0x37: {  	s4 =	simm.s32 $0x380;
	[sflag:s28] =	ssyncadd.s32 $0xFFFFC000  }
0x38: {  	[tilespmem:s17], [sflag:$0x3] =	stream.indirect.gather [hbm4b:s2+s13], $0x80, s4, s13, $0xb8;
	[tilespmem:$0x1A400] =	vst v63  }
0x39: {  	_ =	swait.ge [sflag:s29], $0x4000  }
0x3a: {  	[sflag:s29] =	ssyncset.done $0x0  }
0x3b: {  	s18 =	sadd.s32 $0xFFFFF800, s11;
	[sflag:s29] =	ssyncadd.s32 $0xFFFFC000  }
0x3c: {  	[hbm4b:s18+s3] =	stream.linear.scatter [tilespmem:s19], [sflag:$0x9], $0x4000, $0x38;
	[tilespmem:$0x1A400] =	vst v63  }
0x3d: {  	_ =	swait.ge [sflag:s30], $0x4000  }
0x3e: {  	[sflag:s30] =	ssyncset.done $0x0  }
0x3f: {  	s20 =	simm.s32 $0x400;
	[sflag:s30] =	ssyncadd.s32 $0xFFFFC000  }
0x40: {  	[tilespmem:s19], [sflag:$0x4] =	stream.indirect.gather [hbm4b:s2+s13], $0x80, s20, s13, $0xb8;
	[tilespmem:$0x1A400] =	vst v63  }
0x41: {  	_ =	swait.ge [sflag:s31], $0x4000  }
0x42: {  	[sflag:s31] =	ssyncset.done $0x0  }
0x43: {  	[sflag:s31] =	ssyncadd.s32 $0xFFFFC000  }
0x44: {  	[hbm4b:s11+s3] =	stream.linear.scatter [tilespmem:s21], [sflag:$0xA], $0x4000, $0x38;
	[tilespmem:$0x1A400] =	vst v63  }
0x45: {  	_ =	swait.ge [sflag:s1], $0x4000  }
0x46: {  	s16 =	simm.s32 $0xA00;
	[sflag:s1] =	ssyncset.done $0x0  }
0x47: {  	s18 =	sadd.s32 $0x2800, s11;
	s20 =	simm.s32 $0x480;
	[sflag:s1] =	ssyncadd.s32 $0xFFFFC000  }
.LBB2_2:
0x48: {  	[tilespmem:s21], [sflag:$0x5] =	stream.indirect.gather [hbm4b:s2+s13], $0x80, s20, s13, $0xb8;
	[tilespmem:$0x1A400] =	vst v63  }
0x49: {  	s20 =	smov.u32 s16  }
0x4a: {  	p0 =	sne.s32 s16, $0x17C00;
	s16 =	sadd.s32 $0xA00, s16;
	_ =	swait.ge [sflag:s22], $0x4000  }
0x4b: {  	[sflag:s22] =	ssyncset.done $0x0  }
0x4c: {  	s4 =	sadd.s32 $0xFFFFE000, s18;
	[sflag:s22] =	ssyncadd.s32 $0xFFFFC000  }
0x4d: {  	[hbm4b:s4+s3] =	stream.linear.scatter [tilespmem:s14], [sflag:$0x6], $0x4000, $0x38;
	[tilespmem:$0x1A400] =	vst v63  }
0x4e: {  	_ =	swait.ge [sflag:s23], $0x4000  }
0x4f: {  	s20 =	sshra.s32 s20, $0x2;
	[sflag:s23] =	ssyncset.done $0x0  }
0x50: {  	s4 =	sadd.s32 $0x280, s20;
	[sflag:s23] =	ssyncadd.s32 $0xFFFFC000  }
0x51: {  	[tilespmem:s14], [sflag:$0x1] =	stream.indirect.gather [hbm4b:s2+s13], $0x80, s4, s13, $0xb8;
	[tilespmem:$0x1A400] =	vst v63  }
0x52: {  	_ =	swait.ge [sflag:s24], $0x4000  }
0x53: {  	[sflag:s24] =	ssyncset.done $0x0  }
0x54: {  	s4 =	sadd.s32 $0xFFFFE800, s18;
	[sflag:s24] =	ssyncadd.s32 $0xFFFFC000  }
0x55: {  	[hbm4b:s4+s3] =	stream.linear.scatter [tilespmem:s15], [sflag:$0x7], $0x4000, $0x38;
	[tilespmem:$0x1A400] =	vst v63  }
0x56: {  	_ =	swait.ge [sflag:s25], $0x4000  }
0x57: {  	[sflag:s25] =	ssyncset.done $0x0  }
0x58: {  	s4 =	sadd.s32 $0x300, s20;
	[sflag:s25] =	ssyncadd.s32 $0xFFFFC000  }
0x59: {  	[tilespmem:s15], [sflag:$0x2] =	stream.indirect.gather [hbm4b:s2+s13], $0x80, s4, s13, $0xb8;
	[tilespmem:$0x1A400] =	vst v63  }
0x5a: {  	_ =	swait.ge [sflag:s26], $0x4000  }
0x5b: {  	[sflag:s26] =	ssyncset.done $0x0  }
0x5c: {  	s4 =	sadd.s32 $0xFFFFF000, s18;
	[sflag:s26] =	ssyncadd.s32 $0xFFFFC000  }
0x5d: {  	[hbm4b:s4+s3] =	stream.linear.scatter [tilespmem:s17], [sflag:$0x8], $0x4000, $0x38;
	[tilespmem:$0x1A400] =	vst v63  }
0x5e: {  	_ =	swait.ge [sflag:s28], $0x4000  }
0x5f: {  	[sflag:s28] =	ssyncset.done $0x0  }
0x60: {  	s4 =	sadd.s32 $0x380, s20;
	[sflag:s28] =	ssyncadd.s32 $0xFFFFC000  }
0x61: {  	[tilespmem:s17], [sflag:$0x3] =	stream.indirect.gather [hbm4b:s2+s13], $0x80, s4, s13, $0xb8;
	[tilespmem:$0x1A400] =	vst v63  }
0x62: {  	_ =	swait.ge [sflag:s29], $0x4000  }
0x63: {  	[sflag:s29] =	ssyncset.done $0x0  }
0x64: {  	s4 =	sadd.s32 $0xFFFFF800, s18;
	[sflag:s29] =	ssyncadd.s32 $0xFFFFC000  }
0x65: {  	[hbm4b:s4+s3] =	stream.linear.scatter [tilespmem:s19], [sflag:$0x9], $0x4000, $0x38;
	[tilespmem:$0x1A400] =	vst v63  }
0x66: {  	_ =	swait.ge [sflag:s30], $0x4000  }
0x67: {  	[sflag:s30] =	ssyncset.done $0x0  }
0x68: {  	s4 =	sadd.s32 $0x400, s20;
	[sflag:s30] =	ssyncadd.s32 $0xFFFFC000  }
0x69: {  	[tilespmem:s19], [sflag:$0x4] =	stream.indirect.gather [hbm4b:s2+s13], $0x80, s4, s13, $0xb8;
	[tilespmem:$0x1A400] =	vst v63  }
0x6a: {  	_ =	swait.ge [sflag:s31], $0x4000  }
0x6b: {  	[sflag:s31] =	ssyncset.done $0x0  }
.Ltmp0:
0x6c: {  	[sflag:s31] =	ssyncadd.s32 $0xFFFFC000;
	(pc) =	sbr.rel @p0 .LBB2_2-.Ltmp0, $4  }
0x6d: {  	[hbm4b:s18+s3] =	stream.linear.scatter [tilespmem:s21], [sflag:$0xA], $0x4000, $0x38;
	[tilespmem:$0x1A400] =	vst v63  }
0x6e: {  	_ =	swait.ge [sflag:s1], $0x4000  }
0x6f: {  	[sflag:s1] =	ssyncset.done $0x0  }
0x70: {  	s20 =	sadd.s32 $0x480, s20;
	s18 =	sadd.s32 $0x2800, s18;
	[sflag:s1] =	ssyncadd.s32 $0xFFFFC000  }
0x71: {  	[tilespmem:s21], [sflag:$0x5] =	stream.indirect.gather [hbm4b:s2+s13], $0x80, s20, s13, $0xb8;
	[tilespmem:$0x1A400] =	vst v63  }
0x72: {  	_ =	swait.ge [sflag:s22], $0x4000  }
0x73: {  	[sflag:s22] =	ssyncset.done $0x0  }
0x74: {  	[sflag:s22] =	ssyncadd.s32 $0xFFFFC000  }
0x75: {  	[hbm4b:s5+s3] =	stream.linear.scatter [tilespmem:s14], [sflag:$0x6], $0x4000, $0x38;
	[tilespmem:$0x1A400] =	vst v63  }
0x76: {  	_ =	swait.ge [sflag:s24], $0x4000  }
0x77: {  	[sflag:s24] =	ssyncset.done $0x0  }
0x78: {  	[sflag:s24] =	ssyncadd.s32 $0xFFFFC000  }
0x79: {  	[hbm4b:s6+s3] =	stream.linear.scatter [tilespmem:s15], [sflag:$0x7], $0x4000, $0x38;
	[tilespmem:$0x1A400] =	vst v63  }
0x7a: {  	_ =	swait.ge [sflag:s26], $0x4000  }
0x7b: {  	[sflag:s26] =	ssyncset.done $0x0  }
0x7c: {  	[sflag:s26] =	ssyncadd.s32 $0xFFFFC000  }
0x7d: {  	[hbm4b:s7+s3] =	stream.linear.scatter [tilespmem:s17], [sflag:$0x8], $0x4000, $0x38;
	[tilespmem:$0x1A400] =	vst v63  }
0x7e: {  	_ =	swait.ge [sflag:s29], $0x4000  }
0x7f: {  	[sflag:s29] =	ssyncset.done $0x0  }
0x80: {  	[sflag:s29] =	ssyncadd.s32 $0xFFFFC000  }
0x81: {  	[hbm4b:s8+s3] =	stream.linear.scatter [tilespmem:s19], [sflag:$0x9], $0x4000, $0x38;
	[tilespmem:$0x1A400] =	vst v63  }
0x82: {  	_ =	swait.ge [sflag:s31], $0x4000  }
0x83: {  	[sflag:s31] =	ssyncset.done $0x0  }
0x84: {  	[sflag:s31] =	ssyncadd.s32 $0xFFFFC000  }
0x85: {  	[hbm4b:s9+s3] =	stream.linear.scatter [tilespmem:s21], [sflag:$0xA], $0x4000, $0x38;
	[tilespmem:$0x1A400] =	vst v63  }
0x86: {  	_ =	swait.ge [sflag:s23], $0x4000  }
0x87: {  	[sflag:s23] =	ssyncset.done $0x0  }
0x88: {  	[sflag:s23] =	ssyncadd.s32 $0xFFFFC000  }
0x89: {  	_ =	swait.ge [sflag:s25], $0x4000  }
0x8a: {  	[sflag:s25] =	ssyncset.done $0x0  }
0x8b: {  	[sflag:s25] =	ssyncadd.s32 $0xFFFFC000  }
0x8c: {  	_ =	swait.ge [sflag:s28], $0x4000  }
0x8d: {  	[sflag:s28] =	ssyncset.done $0x0  }
0x8e: {  	s0 =	sadd.s32 $0x1, s0;
	[sflag:s28] =	ssyncadd.s32 $0xFFFFC000  }
0x8f: {  	p0 =	sne.s32 s0, s10;
	_ =	swait.ge [sflag:s30], $0x4000  }
.Ltmp1:
0x90: {  	[sflag:s30] =	ssyncset.done $0x0;
	(pc) =	sbr.rel @p0 .LBB2_1-.Ltmp1, $4  }
0x91: {  	[sflag:s30] =	ssyncadd.s32 $0xFFFFC000  }
0x92: {  	_ =	swait.ge [sflag:s1], $0x4000  }
0x93: {  	[sflag:s1] =	ssyncset.done $0x0  }
0x94: {  	[sflag:s1] =	ssyncadd.s32 $0xFFFFC000  }
0x95: {  	_ =	sfence.sel $0x180000  }
0x96: {  	[bflag:$0x0] =	sbarrier.arrive $0xFFFF  }
0x97: {  	_ =	strace $0x90000047  }
0x98: {  	s0 =	stileid.u32;
	[bflag:$0x2] =	sbarrier.arrive $0xFFFF  }
0x99: {  	p0 =	sne.s32 s0, $0x0;
	s0 =	rddreg [dreg:$0x3]  }
0x9a: {  	s0 =	sadd.s32 @!p0 $0x100000, s0  }
0x9b: {  	[sflag:s0] =	ssyncadd.tile.s32 @!p0 $0x1;
	_ =	shalt  }
.Lfunc_end2:
_tile_overlayer_lowered:
.L_overlay_start_2:
0x9c: {  	(tag) =	ssettag $0x2  }
0x9d: {  	s0 =	rddreg [dreg:$0x0];
	s2 =	stileid.u32  }
0x9e: {  	s1 =	rddreg [dreg:$0x1];
	p0 =	sne.s32 s2, $0x0  }
0x9f: {  	s3 =	rddreg [dreg:$0x2];
	[bflag:$0x3] =	sbarrier.arrive $0xFFFF;
	s2 =	simm.s32 @!p0 $0x1C0B  }
0xa0: {  	[timem:s3], [sflag:s2] =	dma.local @!p0 [hbm:s0], s1  }
0xa1: {  	s0 =	simm.s32 @!p0 $0xB  }
0xa2: {  	_ =	swait.ge @!p0 [sflag:s0], s1  }
0xa3: {  	s1 =	ssub.s32 @!p0 $0x0, s1;
	[sflag:s0] =	ssyncset.done @!p0 $0x0  }
0xa4: {  	[sflag:s0] =	ssyncadd.s32 @!p0 s1  }
0xa5: {  	[bflag:$0x3] =	sbarrier.arrive $0xFFFF  }
0xa6: {  	_ =	shalt  }

</sc_bundles>
